<compile_context>
chip_gen: v7x
topology: tpu7x:2x2x1
jax: 0.10.2.dev20260603
libtpu: 0.0.44.dev20260713+nightly
codegen_flags: <defaults>
</compile_context>

<pallas_src>
import functools

import jax
import jax.numpy as jnp
from jax import lax
from jax.experimental import pallas as pl
from jax.experimental.pallas import tpu as pltpu
from jax.experimental.pallas import tpu_sc as plsc

_KS = 2
_STRIDE = 2
_L = 16


def _build_sc_scatter(BC, M, N, num_cores, num_subcores):
    NW = num_cores * num_subcores
    assert BC % NW == 0
    ROWS = BC // NW
    PASSES = 5
    _AL = _L * 8
    QS = ((N + PASSES - 1) // PASSES + _AL - 1) // _AL * _AL
    assert QS % 8 == 0 and (N - (PASSES - 1) * QS) % _AL == 0
    mesh = plsc.VectorSubcoreMesh(
        core_axis_name="c",
        subcore_axis_name="s",
        num_cores=num_cores,
        num_subcores=num_subcores,
    )

    @functools.partial(
        pl.kernel,
        out_type=jax.ShapeDtypeStruct((BC * N,), jnp.float32),
        mesh=mesh,
        scratch_types=[
            pltpu.VMEM((M + _L,), jnp.int32),
            pltpu.VMEM((M,), jnp.float32),
            pltpu.VMEM((QS,), jnp.float32),
        ],
        compiler_params=pltpu.CompilerParams(needs_layout_passes=False),
    )
    def k(keys_hbm, vals_hbm, out_hbm, irow, vrow, qbuf):
        wid = lax.axis_index("s") * num_cores + lax.axis_index("c")

        def row_body(rr, carry):
            r = wid * ROWS + rr
            pltpu.sync_copy(keys_hbm.at[pl.ds(r * M, M)], irow.at[pl.ds(0, M)])
            pltpu.sync_copy(vals_hbm.at[pl.ds(r * M, M)], vrow)
            irow[pl.ds(M, _L)] = jnp.full((_L,), -1, jnp.int32)
            zeros = jnp.zeros((_L,), jnp.float32)

            NV = M // _L

            def lower_bound(target):
                def bbody(_, lh):
                    blo, bhi = lh
                    mid = (blo + bhi) // 2
                    v = irow[pl.ds(pl.multiple_of(mid * _L, _L), _L)]
                    lv = v[0] & (N - 1)
                    right = lv < target
                    return (
                        jnp.where(right, mid + 1, blo),
                        jnp.where(right, bhi, mid),
                    )

                blo, _ = lax.fori_loop(
                    0, 11, bbody, (jnp.int32(0), jnp.int32(NV))
                )
                return blo

            bounds = [jnp.int32(0)]
            for p in range(1, PASSES):
                bounds.append(lower_bound(p * QS))
            bounds.append(jnp.int32(NV))

            for p in range(PASSES):
                lo = p * QS
                span = min(QS, N - lo)
                span = (span + _L - 1) // _L * _L

                @functools.partial(
                    plsc.parallel_loop, 0, span // _L, unroll=8
                )
                def _(j):
                    qbuf[pl.ds(pl.multiple_of(j * _L, _L), _L)] = zeros

                v0 = jnp.bitwise_and(jnp.maximum(bounds[p] - 1, 0), -4)
                v1 = jnp.minimum(
                    jnp.bitwise_and(bounds[p + 1] + 1 + 3, -4), NV
                )

                @functools.partial(plsc.parallel_loop, v0, v1, unroll=4)
                def _(i):
                    off = pl.multiple_of(i * _L, _L)
                    kv = irow[pl.ds(off, _L)]
                    kn = irow[pl.ds(off + 1, _L)]
                    vv = vrow[pl.ds(off, _L)]
                    lv = kv & (N - 1)
                    m = (lv >= lo) & (lv < lo + span) & (kv != kn)
                    loc = jnp.where(m, lv - lo, 0)
                    plsc.store_scatter(qbuf, [loc], vv, mask=m)

                out_span = min(QS, N - lo)
                pltpu.sync_copy(
                    qbuf.at[pl.ds(0, out_span)],
                    out_hbm.at[pl.ds(r * N + lo, out_span)],
                )
            return carry

        lax.fori_loop(0, ROWS, row_body, 0)

    return k


def kernel(f_maps, indices):
    B, C, D, H, W = f_maps.shape
    Do = (D - 1) * _STRIDE + _KS
    Ho = (H - 1) * _STRIDE + _KS
    Wo = (W - 1) * _STRIDE + _KS
    N = Do * Ho * Wo
    M = D * H * W
    BC = B * C
    gkeys = (
        jnp.arange(BC, dtype=jnp.int32)[:, None] * N + indices.reshape(BC, M)
    ).reshape(-1)
    skeys, svals = lax.sort(
        (gkeys, f_maps.reshape(-1)), dimension=0, num_keys=1, is_stable=False
    )
    info = plsc.get_sparse_core_info()
    fn = _build_sc_scatter(BC, M, N, info.num_cores, info.num_subcores)
    out = fn(skeys, svals)
    return out.reshape(B, C, Do, Ho, Wo)

# --- scband reference (transcript-rebuilt; emitter-appended) ---
"""Pipeline reference for scband-crop-max-unpool3d-3702261809630 (READ-ONLY COPY).

The authoritative reference and input builder live on the scoring server;
editing this copy changes nothing except your own understanding.
"""

import jax, jax.numpy as jnp
import numpy as np

KERNEL_SIZE = 2
STRIDE = 2

def setup_inputs(seed: int = 0) -> dict:
    key = jax.random.key(seed)
    k1, k2 = jax.random.split(key)
    B, C, D, H, W = 2, 64, 32, 32, 32
    Do = (D - 1) * STRIDE + KERNEL_SIZE
    Ho = (H - 1) * STRIDE + KERNEL_SIZE
    Wo = (W - 1) * STRIDE + KERNEL_SIZE
    f_maps = jax.random.normal(k1, (B, C, D, H, W), dtype=jnp.float32)
    indices = jax.random.randint(k2, (B, C, D, H, W), 0, Do * Ho * Wo, dtype=jnp.int32)
    return {"f_maps": f_maps, "indices": indices}

def reference(f_maps, indices):
    # Faithful jax translation of nn.MaxUnpool3d(kernel_size=2, stride=2):
    # scatter each pooled value into a zero-initialized output volume at the
    # flattened per-(b, c) index recorded during pooling. padding arg is None,
    # so no cropping is applied.
    B, C, D, H, W = f_maps.shape
    Do = (D - 1) * STRIDE + KERNEL_SIZE
    Ho = (H - 1) * STRIDE + KERNEL_SIZE
    Wo = (W - 1) * STRIDE + KERNEL_SIZE
    N = Do * Ho * Wo
    vals = f_maps.reshape(B * C, -1)
    idx = indices.reshape(B * C, -1)
    rows = jnp.arange(B * C)[:, None]
    out = jnp.zeros((B * C, N), dtype=f_maps.dtype)
    out = out.at[rows, idx].set(vals)
    return out.reshape(B, C, Do, Ho, Wo)

if __name__ == "__main__":
    import jax
    _d = setup_inputs()
    print(jax.jit(kernel)(*tuple(_d.values())))

</pallas_src>

<mosaic_0001>
#map = affine_map<(d0, d1) -> (0)>
module attributes {stable_mosaic.version = 14 : i64} {
  func.func @k(%arg0: i32, %arg1: i32, %arg2: memref<4194304xi32, #tpu.memory_space<hbm>>, %arg3: memref<4194304xf32, #tpu.memory_space<hbm>>, %arg4: memref<33554432xf32, #tpu.memory_space<hbm>>, %arg5: memref<32784xi32, #tpu.memory_space<vmem>>, %arg6: memref<32768xf32, #tpu.memory_space<vmem>>, %arg7: memref<52480xf32, #tpu.memory_space<vmem>>) attributes {dimension_semantics = [#tpu.dimension_semantics<core_parallel>, #tpu.dimension_semantics<subcore_parallel>], iteration_bounds = array<i64: 2, 16>, scalar_prefetch = 0 : i64, scratch_operands = 3 : i64, tpu.core_type = #tpu.core_type<sc_vector_subcore>, window_params = [{transform_indices = #map}, {transform_indices = #map}, {transform_indices = #map}]} {
    %mul3A = arith.constant 2 : i32
    %mul3A_0 = arith.muli %arg1, %mul3A : i32
    %add3A = arith.addi %mul3A_0, %arg0 : i32
    %scan3A = arith.constant 0 : i32
    %scan3A_1 = arith.constant 0 : i32
    %scan3A_2 = arith.constant 4 : i32
    %scan3A_3 = arith.addi %scan3A_1, %scan3A_2 : i32
    %scan3A_4 = arith.constant 1 : i32
    scf.for %scan3A_6 = %scan3A_1 to %scan3A_3 step %scan3A_4  : i32 {
      %mul3A_7 = arith.constant 4 : i32
      %mul3A_8 = arith.muli %add3A, %mul3A_7 : i32
      %add3A_9 = arith.addi %mul3A_8, %scan3A_6 : i32
      %mul3A_10 = arith.constant 32768 : i32
      %mul3A_11 = arith.muli %add3A_9, %mul3A_10 : i32
      "tpu.region"() ({
        %run_scoped3A = tpu.sem_alloc : memref<!tpu.dma_semaphore, #tpu.memory_space<semaphore_mem>>
        %dma_start3A = arith.constant 0 : i32
        %dma_start3A_138 = tpu.memref_slice %arg5[%dma_start3A] : memref<32784xi32, #tpu.memory_space<vmem>> -> memref<32768xi32, #tpu.memory_space<vmem>>
        %dma_start3A_139 = tpu.memref_slice %arg2[%mul3A_11] : memref<4194304xi32, #tpu.memory_space<hbm>> -> memref<32768xi32, #tpu.memory_space<hbm>>
        %dma_start3A_140 = arith.constant 0 : i32
        %dma_start3A_141 = tpu.memref_slice %arg5[%dma_start3A_140] : memref<32784xi32, #tpu.memory_space<vmem>> -> memref<32768xi32, #tpu.memory_space<vmem>>
        %dma_start3A_142 = tpu.memref_slice %arg2[%mul3A_11] : memref<4194304xi32, #tpu.memory_space<hbm>> -> memref<32768xi32, #tpu.memory_space<hbm>>
        tpu.enqueue_dma source(%dma_start3A_142 : memref<32768xi32, #tpu.memory_space<hbm>>) target(%dma_start3A_141 : memref<32768xi32, #tpu.memory_space<vmem>>) target_semaphore(%run_scoped3A : memref<!tpu.dma_semaphore, #tpu.memory_space<semaphore_mem>>)
        %dma_wait3A = arith.constant 0 : i32
        %dma_wait3A_143 = tpu.memref_slice %arg5[%dma_wait3A] : memref<32784xi32, #tpu.memory_space<vmem>> -> memref<32768xi32, #tpu.memory_space<vmem>>
        %dma_wait3A_144 = tpu.memref_slice %arg2[%mul3A_11] : memref<4194304xi32, #tpu.memory_space<hbm>> -> memref<32768xi32, #tpu.memory_space<hbm>>
        %dma_wait3A_145 = arith.constant 0 : i32
        %dma_wait3A_146 = tpu.memref_slice %arg5[%dma_wait3A_145] : memref<32784xi32, #tpu.memory_space<vmem>> -> memref<32768xi32, #tpu.memory_space<vmem>>
        %dma_wait3A_147 = tpu.memref_slice %arg2[%mul3A_11] : memref<4194304xi32, #tpu.memory_space<hbm>> -> memref<32768xi32, #tpu.memory_space<hbm>>
        tpu.wait_dma2 semaphore(%run_scoped3A : memref<!tpu.dma_semaphore, #tpu.memory_space<semaphore_mem>>) src(%dma_wait3A_147 : memref<32768xi32, #tpu.memory_space<hbm>>) dst(%dma_wait3A_146 : memref<32768xi32, #tpu.memory_space<vmem>>)
        tpu.yield
      }) : () -> ()
      %mul3A_12 = arith.constant 32768 : i32
      %mul3A_13 = arith.muli %add3A_9, %mul3A_12 : i32
      "tpu.region"() ({
        %run_scoped3A = tpu.sem_alloc : memref<!tpu.dma_semaphore, #tpu.memory_space<semaphore_mem>>
        %dma_start3A = tpu.memref_slice %arg3[%mul3A_13] : memref<4194304xf32, #tpu.memory_space<hbm>> -> memref<32768xf32, #tpu.memory_space<hbm>>
        %dma_start3A_138 = tpu.memref_slice %arg3[%mul3A_13] : memref<4194304xf32, #tpu.memory_space<hbm>> -> memref<32768xf32, #tpu.memory_space<hbm>>
        tpu.enqueue_dma source(%dma_start3A_138 : memref<32768xf32, #tpu.memory_space<hbm>>) target(%arg6 : memref<32768xf32, #tpu.memory_space<vmem>>) target_semaphore(%run_scoped3A : memref<!tpu.dma_semaphore, #tpu.memory_space<semaphore_mem>>)
        %dma_wait3A = tpu.memref_slice %arg3[%mul3A_13] : memref<4194304xf32, #tpu.memory_space<hbm>> -> memref<32768xf32, #tpu.memory_space<hbm>>
        %dma_wait3A_139 = tpu.memref_slice %arg3[%mul3A_13] : memref<4194304xf32, #tpu.memory_space<hbm>> -> memref<32768xf32, #tpu.memory_space<hbm>>
        tpu.wait_dma2 semaphore(%run_scoped3A : memref<!tpu.dma_semaphore, #tpu.memory_space<semaphore_mem>>) src(%dma_wait3A_139 : memref<32768xf32, #tpu.memory_space<hbm>>) dst(%arg6 : memref<32768xf32, #tpu.memory_space<vmem>>)
        tpu.yield
      }) : () -> ()
      %broadcast_in_dim3A = arith.constant -1 : i32
      %broadcast_in_dim3A_14 = vector.broadcast %broadcast_in_dim3A : i32 to vector<16xi32>
      %swap3A = arith.constant 32768 : index
      %swap3A_15 = tpu.vector_load %arg5[%swap3A] {strides = array<i32>} : memref<32784xi32, #tpu.memory_space<vmem>>, vector<16xi32>,
      tpu.vector_store %arg5[%swap3A], %broadcast_in_dim3A_14 {strides = array<i32>} : memref<32784xi32, #tpu.memory_space<vmem>>, vector<16xi32>,
      %broadcast_in_dim3A_16 = arith.constant 0.000000e+00 : f32
      %broadcast_in_dim3A_17 = vector.broadcast %broadcast_in_dim3A_16 : f32 to vector<16xf32>
      %scan3A_18 = arith.constant 0 : i32
      %scan3A_19 = arith.constant 2048 : i32
      %scan3A_20 = arith.constant 0 : i32
      %scan3A_21 = arith.constant 11 : i32
      %scan3A_22 = arith.addi %scan3A_20, %scan3A_21 : i32
      %scan3A_23 = arith.constant 1 : i32
      %scan3A_24:2 = scf.for %scan3A_138 = %scan3A_20 to %scan3A_22 step %scan3A_23 iter_args(%scan3A_139 = %scan3A_18, %scan3A_140 = %scan3A_19) -> (i32, i32)  : i32 {
        %add3A_141 = arith.addi %scan3A_139, %scan3A_140 : i32
        %jit3A = arith.constant 2 : i32
        %div3A = arith.divsi %add3A_141, %jit3A : i32
        %sign3A = arith.constant 0 : i32
        %sign3A_142 = arith.cmpi sgt, %add3A_141, %sign3A : i32
        %sign3A_143 = arith.extui %sign3A_142 : i1 to i32
        %sign3A_144 = arith.constant 0 : i32
        %sign3A_145 = arith.cmpi slt, %add3A_141, %sign3A_144 : i32
        %sign3A_146 = arith.extui %sign3A_145 : i1 to i32
        %sign3A_147 = arith.subi %sign3A_143, %sign3A_146 : i32
        %sign3A_148 = arith.constant 0 : i32
        %sign3A_149 = arith.cmpi sgt, %jit3A, %sign3A_148 : i32
        %sign3A_150 = arith.extui %sign3A_149 : i1 to i32
        %sign3A_151 = arith.constant 0 : i32
        %sign3A_152 = arith.cmpi slt, %jit3A, %sign3A_151 : i32
        %sign3A_153 = arith.extui %sign3A_152 : i1 to i32
        %sign3A_154 = arith.subi %sign3A_150, %sign3A_153 : i32
        %ne3A = arith.cmpi ne, %sign3A_147, %sign3A_154 : i32
        %rem3A = arith.remsi %add3A_141, %jit3A : i32
        %ne3A_155 = arith.constant 0 : i32
        %ne3A_156 = arith.cmpi ne, %rem3A, %ne3A_155 : i32
        %and3A_157 = arith.andi %ne3A, %ne3A_156 : i1
        %sub3A_158 = arith.constant 1 : i32
        %sub3A_159 = arith.subi %div3A, %sub3A_158 : i32
        %select_n3A = arith.select %and3A_157, %sub3A_159, %div3A : i32
        %mul3A_160 = arith.constant 16 : i32
        %mul3A_161 = arith.muli %select_n3A, %mul3A_160 : i32
        %multiple_of3A = tpu.assume_multiple %mul3A_161, 16 : i32
        %get3A = arith.index_cast %multiple_of3A : i32 to index
        %get3A_162 = tpu.vector_load %arg5[%get3A] {strides = array<i32>} : memref<32784xi32, #tpu.memory_space<vmem>>, vector<16xi32>,
        %slice3A = vector.extract_strided_slice %get3A_162 {offsets = [0], sizes = [1], strides = [1]} : vector<16xi32> to vector<1xi32>
        %squeeze3A = vector.extract %slice3A[0] : i32 from vector<1xi32>
        %and3A_163 = arith.constant 262143 : i32
        %and3A_164 = arith.andi %squeeze3A, %and3A_163 : i32
        %lt3A = arith.constant 52480 : i32
        %lt3A_165 = arith.cmpi slt, %and3A_164, %lt3A : i32
        %add3A_166 = arith.constant 1 : i32
        %add3A_167 = arith.addi %select_n3A, %add3A_166 : i32
        %select_n3A_168 = arith.select %lt3A_165, %add3A_167, %scan3A_139 : i32
        %select_n3A_169 = arith.select %lt3A_165, %scan3A_140, %select_n3A : i32
        scf.yield %select_n3A_168, %select_n3A_169 : i32, i32
      }
      %scan3A_25 = arith.constant 11 : i32
      %scan3A_26 = arith.constant 0 : i32
      %scan3A_27 = arith.constant 2048 : i32
      %scan3A_28 = arith.constant 0 : i32
      %scan3A_29 = arith.constant 11 : i32
      %scan3A_30 = arith.addi %scan3A_28, %scan3A_29 : i32
      %scan3A_31 = arith.constant 1 : i32
      %scan3A_32:2 = scf.for %scan3A_138 = %scan3A_28 to %scan3A_30 step %scan3A_31 iter_args(%scan3A_139 = %scan3A_26, %scan3A_140 = %scan3A_27) -> (i32, i32)  : i32 {
        %add3A_141 = arith.addi %scan3A_139, %scan3A_140 : i32
        %jit3A = arith.constant 2 : i32
        %div3A = arith.divsi %add3A_141, %jit3A : i32
        %sign3A = arith.constant 0 : i32
        %sign3A_142 = arith.cmpi sgt, %add3A_141, %sign3A : i32
        %sign3A_143 = arith.extui %sign3A_142 : i1 to i32
        %sign3A_144 = arith.constant 0 : i32
        %sign3A_145 = arith.cmpi slt, %add3A_141, %sign3A_144 : i32
        %sign3A_146 = arith.extui %sign3A_145 : i1 to i32
        %sign3A_147 = arith.subi %sign3A_143, %sign3A_146 : i32
        %sign3A_148 = arith.constant 0 : i32
        %sign3A_149 = arith.cmpi sgt, %jit3A, %sign3A_148 : i32
        %sign3A_150 = arith.extui %sign3A_149 : i1 to i32
        %sign3A_151 = arith.constant 0 : i32
        %sign3A_152 = arith.cmpi slt, %jit3A, %sign3A_151 : i32
        %sign3A_153 = arith.extui %sign3A_152 : i1 to i32
        %sign3A_154 = arith.subi %sign3A_150, %sign3A_153 : i32
        %ne3A = arith.cmpi ne, %sign3A_147, %sign3A_154 : i32
        %rem3A = arith.remsi %add3A_141, %jit3A : i32
        %ne3A_155 = arith.constant 0 : i32
        %ne3A_156 = arith.cmpi ne, %rem3A, %ne3A_155 : i32
        %and3A_157 = arith.andi %ne3A, %ne3A_156 : i1
        %sub3A_158 = arith.constant 1 : i32
        %sub3A_159 = arith.subi %div3A, %sub3A_158 : i32
        %select_n3A = arith.select %and3A_157, %sub3A_159, %div3A : i32
        %mul3A_160 = arith.constant 16 : i32
        %mul3A_161 = arith.muli %select_n3A, %mul3A_160 : i32
        %multiple_of3A = tpu.assume_multiple %mul3A_161, 16 : i32
        %get3A = arith.index_cast %multiple_of3A : i32 to index
        %get3A_162 = tpu.vector_load %arg5[%get3A] {strides = array<i32>} : memref<32784xi32, #tpu.memory_space<vmem>>, vector<16xi32>,
        %slice3A = vector.extract_strided_slice %get3A_162 {offsets = [0], sizes = [1], strides = [1]} : vector<16xi32> to vector<1xi32>
        %squeeze3A = vector.extract %slice3A[0] : i32 from vector<1xi32>
        %and3A_163 = arith.constant 262143 : i32
        %and3A_164 = arith.andi %squeeze3A, %and3A_163 : i32
        %lt3A = arith.constant 104960 : i32
        %lt3A_165 = arith.cmpi slt, %and3A_164, %lt3A : i32
        %add3A_166 = arith.constant 1 : i32
        %add3A_167 = arith.addi %select_n3A, %add3A_166 : i32
        %select_n3A_168 = arith.select %lt3A_165, %add3A_167, %scan3A_139 : i32
        %select_n3A_169 = arith.select %lt3A_165, %scan3A_140, %select_n3A : i32
        scf.yield %select_n3A_168, %select_n3A_169 : i32, i32
      }
      %scan3A_33 = arith.constant 11 : i32
      %scan3A_34 = arith.constant 0 : i32
      %scan3A_35 = arith.constant 2048 : i32
      %scan3A_36 = arith.constant 0 : i32
      %scan3A_37 = arith.constant 11 : i32
      %scan3A_38 = arith.addi %scan3A_36, %scan3A_37 : i32
      %scan3A_39 = arith.constant 1 : i32
      %scan3A_40:2 = scf.for %scan3A_138 = %scan3A_36 to %scan3A_38 step %scan3A_39 iter_args(%scan3A_139 = %scan3A_34, %scan3A_140 = %scan3A_35) -> (i32, i32)  : i32 {
        %add3A_141 = arith.addi %scan3A_139, %scan3A_140 : i32
        %jit3A = arith.constant 2 : i32
        %div3A = arith.divsi %add3A_141, %jit3A : i32
        %sign3A = arith.constant 0 : i32
        %sign3A_142 = arith.cmpi sgt, %add3A_141, %sign3A : i32
        %sign3A_143 = arith.extui %sign3A_142 : i1 to i32
        %sign3A_144 = arith.constant 0 : i32
        %sign3A_145 = arith.cmpi slt, %add3A_141, %sign3A_144 : i32
        %sign3A_146 = arith.extui %sign3A_145 : i1 to i32
        %sign3A_147 = arith.subi %sign3A_143, %sign3A_146 : i32
        %sign3A_148 = arith.constant 0 : i32
        %sign3A_149 = arith.cmpi sgt, %jit3A, %sign3A_148 : i32
        %sign3A_150 = arith.extui %sign3A_149 : i1 to i32
        %sign3A_151 = arith.constant 0 : i32
        %sign3A_152 = arith.cmpi slt, %jit3A, %sign3A_151 : i32
        %sign3A_153 = arith.extui %sign3A_152 : i1 to i32
        %sign3A_154 = arith.subi %sign3A_150, %sign3A_153 : i32
        %ne3A = arith.cmpi ne, %sign3A_147, %sign3A_154 : i32
        %rem3A = arith.remsi %add3A_141, %jit3A : i32
        %ne3A_155 = arith.constant 0 : i32
        %ne3A_156 = arith.cmpi ne, %rem3A, %ne3A_155 : i32
        %and3A_157 = arith.andi %ne3A, %ne3A_156 : i1
        %sub3A_158 = arith.constant 1 : i32
        %sub3A_159 = arith.subi %div3A, %sub3A_158 : i32
        %select_n3A = arith.select %and3A_157, %sub3A_159, %div3A : i32
        %mul3A_160 = arith.constant 16 : i32
        %mul3A_161 = arith.muli %select_n3A, %mul3A_160 : i32
        %multiple_of3A = tpu.assume_multiple %mul3A_161, 16 : i32
        %get3A = arith.index_cast %multiple_of3A : i32 to index
        %get3A_162 = tpu.vector_load %arg5[%get3A] {strides = array<i32>} : memref<32784xi32, #tpu.memory_space<vmem>>, vector<16xi32>,
        %slice3A = vector.extract_strided_slice %get3A_162 {offsets = [0], sizes = [1], strides = [1]} : vector<16xi32> to vector<1xi32>
        %squeeze3A = vector.extract %slice3A[0] : i32 from vector<1xi32>
        %and3A_163 = arith.constant 262143 : i32
        %and3A_164 = arith.andi %squeeze3A, %and3A_163 : i32
        %lt3A = arith.constant 157440 : i32
        %lt3A_165 = arith.cmpi slt, %and3A_164, %lt3A : i32
        %add3A_166 = arith.constant 1 : i32
        %add3A_167 = arith.addi %select_n3A, %add3A_166 : i32
        %select_n3A_168 = arith.select %lt3A_165, %add3A_167, %scan3A_139 : i32
        %select_n3A_169 = arith.select %lt3A_165, %scan3A_140, %select_n3A : i32
        scf.yield %select_n3A_168, %select_n3A_169 : i32, i32
      }
      %scan3A_41 = arith.constant 11 : i32
      %scan3A_42 = arith.constant 0 : i32
      %scan3A_43 = arith.constant 2048 : i32
      %scan3A_44 = arith.constant 0 : i32
      %scan3A_45 = arith.constant 11 : i32
      %scan3A_46 = arith.addi %scan3A_44, %scan3A_45 : i32
      %scan3A_47 = arith.constant 1 : i32
      %scan3A_48:2 = scf.for %scan3A_138 = %scan3A_44 to %scan3A_46 step %scan3A_47 iter_args(%scan3A_139 = %scan3A_42, %scan3A_140 = %scan3A_43) -> (i32, i32)  : i32 {
        %add3A_141 = arith.addi %scan3A_139, %scan3A_140 : i32
        %jit3A = arith.constant 2 : i32
        %div3A = arith.divsi %add3A_141, %jit3A : i32
        %sign3A = arith.constant 0 : i32
        %sign3A_142 = arith.cmpi sgt, %add3A_141, %sign3A : i32
        %sign3A_143 = arith.extui %sign3A_142 : i1 to i32
        %sign3A_144 = arith.constant 0 : i32
        %sign3A_145 = arith.cmpi slt, %add3A_141, %sign3A_144 : i32
        %sign3A_146 = arith.extui %sign3A_145 : i1 to i32
        %sign3A_147 = arith.subi %sign3A_143, %sign3A_146 : i32
        %sign3A_148 = arith.constant 0 : i32
        %sign3A_149 = arith.cmpi sgt, %jit3A, %sign3A_148 : i32
        %sign3A_150 = arith.extui %sign3A_149 : i1 to i32
        %sign3A_151 = arith.constant 0 : i32
        %sign3A_152 = arith.cmpi slt, %jit3A, %sign3A_151 : i32
        %sign3A_153 = arith.extui %sign3A_152 : i1 to i32
        %sign3A_154 = arith.subi %sign3A_150, %sign3A_153 : i32
        %ne3A = arith.cmpi ne, %sign3A_147, %sign3A_154 : i32
        %rem3A = arith.remsi %add3A_141, %jit3A : i32
        %ne3A_155 = arith.constant 0 : i32
        %ne3A_156 = arith.cmpi ne, %rem3A, %ne3A_155 : i32
        %and3A_157 = arith.andi %ne3A, %ne3A_156 : i1
        %sub3A_158 = arith.constant 1 : i32
        %sub3A_159 = arith.subi %div3A, %sub3A_158 : i32
        %select_n3A = arith.select %and3A_157, %sub3A_159, %div3A : i32
        %mul3A_160 = arith.constant 16 : i32
        %mul3A_161 = arith.muli %select_n3A, %mul3A_160 : i32
        %multiple_of3A = tpu.assume_multiple %mul3A_161, 16 : i32
        %get3A = arith.index_cast %multiple_of3A : i32 to index
        %get3A_162 = tpu.vector_load %arg5[%get3A] {strides = array<i32>} : memref<32784xi32, #tpu.memory_space<vmem>>, vector<16xi32>,
        %slice3A = vector.extract_strided_slice %get3A_162 {offsets = [0], sizes = [1], strides = [1]} : vector<16xi32> to vector<1xi32>
        %squeeze3A = vector.extract %slice3A[0] : i32 from vector<1xi32>
        %and3A_163 = arith.constant 262143 : i32
        %and3A_164 = arith.andi %squeeze3A, %and3A_163 : i32
        %lt3A = arith.constant 209920 : i32
        %lt3A_165 = arith.cmpi slt, %and3A_164, %lt3A : i32
        %add3A_166 = arith.constant 1 : i32
        %add3A_167 = arith.addi %select_n3A, %add3A_166 : i32
        %select_n3A_168 = arith.select %lt3A_165, %add3A_167, %scan3A_139 : i32
        %select_n3A_169 = arith.select %lt3A_165, %scan3A_140, %select_n3A : i32
        scf.yield %select_n3A_168, %select_n3A_169 : i32, i32
      }
      %scan3A_49 = arith.constant 11 : i32
      %sub3A = arith.constant 0 : i32
      %sub3A_50 = arith.constant 1 : i32
      %sub3A_51 = arith.subi %sub3A, %sub3A_50 : i32
      %max3A = arith.constant 0 : i32
      %max3A_52 = arith.maxsi %sub3A_51, %max3A : i32
      %and3A = arith.constant -4 : i32
      %and3A_53 = arith.andi %max3A_52, %and3A : i32
      %add3A_54 = arith.constant 1 : i32
      %add3A_55 = arith.addi %scan3A_24#0, %add3A_54 : i32
      %add3A_56 = arith.constant 3 : i32
      %add3A_57 = arith.addi %add3A_55, %add3A_56 : i32
      %and3A_58 = arith.constant -4 : i32
      %and3A_59 = arith.andi %add3A_57, %and3A_58 : i32
      %min3A = arith.constant 2048 : i32
      %min3A_60 = arith.minsi %and3A_59, %min3A : i32
      %mul3A_61 = arith.constant 262144 : i32
      %mul3A_62 = arith.muli %add3A_9, %mul3A_61 : i32
      %add3A_63 = arith.constant 0 : i32
      %add3A_64 = arith.addi %mul3A_62, %add3A_63 : i32
      "tpu.region"() ({
        %run_scoped3A = tpu.sem_alloc : memref<!tpu.dma_semaphore, #tpu.memory_space<semaphore_mem>>
        %dma_start3A = arith.constant 0 : i32
        %dma_start3A_138 = tpu.memref_slice %arg7[%dma_start3A] : memref<52480xf32, #tpu.memory_space<vmem>> -> memref<52480xf32, #tpu.memory_space<vmem>>
        %dma_start3A_139 = tpu.memref_slice %arg4[%add3A_64] : memref<33554432xf32, #tpu.memory_space<hbm>> -> memref<52480xf32, #tpu.memory_space<hbm>>
        %dma_start3A_140 = tpu.memref_slice %arg4[%add3A_64] : memref<33554432xf32, #tpu.memory_space<hbm>> -> memref<52480xf32, #tpu.memory_space<hbm>>
        %dma_start3A_141 = arith.constant 0 : i32
        %dma_start3A_142 = tpu.memref_slice %arg7[%dma_start3A_141] : memref<52480xf32, #tpu.memory_space<vmem>> -> memref<52480xf32, #tpu.memory_space<vmem>>
        tpu.enqueue_dma source(%dma_start3A_142 : memref<52480xf32, #tpu.memory_space<vmem>>) target(%dma_start3A_140 : memref<52480xf32, #tpu.memory_space<hbm>>) target_semaphore(%run_scoped3A : memref<!tpu.dma_semaphore, #tpu.memory_space<semaphore_mem>>)
        %dma_wait3A = arith.constant 0 : i32
        %dma_wait3A_143 = tpu.memref_slice %arg7[%dma_wait3A] : memref<52480xf32, #tpu.memory_space<vmem>> -> memref<52480xf32, #tpu.memory_space<vmem>>
        %dma_wait3A_144 = tpu.memref_slice %arg4[%add3A_64] : memref<33554432xf32, #tpu.memory_space<hbm>> -> memref<52480xf32, #tpu.memory_space<hbm>>
        %dma_wait3A_145 = tpu.memref_slice %arg4[%add3A_64] : memref<33554432xf32, #tpu.memory_space<hbm>> -> memref<52480xf32, #tpu.memory_space<hbm>>
        %dma_wait3A_146 = arith.constant 0 : i32
        %dma_wait3A_147 = tpu.memref_slice %arg7[%dma_wait3A_146] : memref<52480xf32, #tpu.memory_space<vmem>> -> memref<52480xf32, #tpu.memory_space<vmem>>
        tpu.wait_dma2 semaphore(%run_scoped3A : memref<!tpu.dma_semaphore, #tpu.memory_space<semaphore_mem>>) src(%dma_wait3A_147 : memref<52480xf32, #tpu.memory_space<vmem>>) dst(%dma_wait3A_145 : memref<52480xf32, #tpu.memory_space<hbm>>)
        tpu.yield
      }) : () -> ()
      %sub3A_65 = arith.constant 1 : i32
      %sub3A_66 = arith.subi %scan3A_24#0, %sub3A_65 : i32
      %max3A_67 = arith.constant 0 : i32
      %max3A_68 = arith.maxsi %sub3A_66, %max3A_67 : i32
      %and3A_69 = arith.constant -4 : i32
      %and3A_70 = arith.andi %max3A_68, %and3A_69 : i32
      %add3A_71 = arith.constant 1 : i32
      %add3A_72 = arith.addi %scan3A_32#0, %add3A_71 : i32
      %add3A_73 = arith.constant 3 : i32
      %add3A_74 = arith.addi %add3A_72, %add3A_73 : i32
      %and3A_75 = arith.constant -4 : i32
      %and3A_76 = arith.andi %add3A_74, %and3A_75 : i32
      %min3A_77 = arith.constant 2048 : i32
      %min3A_78 = arith.minsi %and3A_76, %min3A_77 : i32
      %mul3A_79 = arith.constant 262144 : i32
      %mul3A_80 = arith.muli %add3A_9, %mul3A_79 : i32
      %add3A_81 = arith.constant 52480 : i32
      %add3A_82 = arith.addi %mul3A_80, %add3A_81 : i32
      "tpu.region"() ({
        %run_scoped3A = tpu.sem_alloc : memref<!tpu.dma_semaphore, #tpu.memory_space<semaphore_mem>>
        %dma_start3A = arith.constant 0 : i32
        %dma_start3A_138 = tpu.memref_slice %arg7[%dma_start3A] : memref<52480xf32, #tpu.memory_space<vmem>> -> memref<52480xf32, #tpu.memory_space<vmem>>
        %dma_start3A_139 = tpu.memref_slice %arg4[%add3A_82] : memref<33554432xf32, #tpu.memory_space<hbm>> -> memref<52480xf32, #tpu.memory_space<hbm>>
        %dma_start3A_140 = tpu.memref_slice %arg4[%add3A_82] : memref<33554432xf32, #tpu.memory_space<hbm>> -> memref<52480xf32, #tpu.memory_space<hbm>>
        %dma_start3A_141 = arith.constant 0 : i32
        %dma_start3A_142 = tpu.memref_slice %arg7[%dma_start3A_141] : memref<52480xf32, #tpu.memory_space<vmem>> -> memref<52480xf32, #tpu.memory_space<vmem>>
        tpu.enqueue_dma source(%dma_start3A_142 : memref<52480xf32, #tpu.memory_space<vmem>>) target(%dma_start3A_140 : memref<52480xf32, #tpu.memory_space<hbm>>) target_semaphore(%run_scoped3A : memref<!tpu.dma_semaphore, #tpu.memory_space<semaphore_mem>>)
        %dma_wait3A = arith.constant 0 : i32
        %dma_wait3A_143 = tpu.memref_slice %arg7[%dma_wait3A] : memref<52480xf32, #tpu.memory_space<vmem>> -> memref<52480xf32, #tpu.memory_space<vmem>>
        %dma_wait3A_144 = tpu.memref_slice %arg4[%add3A_82] : memref<33554432xf32, #tpu.memory_space<hbm>> -> memref<52480xf32, #tpu.memory_space<hbm>>
        %dma_wait3A_145 = tpu.memref_slice %arg4[%add3A_82] : memref<33554432xf32, #tpu.memory_space<hbm>> -> memref<52480xf32, #tpu.memory_space<hbm>>
        %dma_wait3A_146 = arith.constant 0 : i32
        %dma_wait3A_147 = tpu.memref_slice %arg7[%dma_wait3A_146] : memref<52480xf32, #tpu.memory_space<vmem>> -> memref<52480xf32, #tpu.memory_space<vmem>>
        tpu.wait_dma2 semaphore(%run_scoped3A : memref<!tpu.dma_semaphore, #tpu.memory_space<semaphore_mem>>) src(%dma_wait3A_147 : memref<52480xf32, #tpu.memory_space<vmem>>) dst(%dma_wait3A_145 : memref<52480xf32, #tpu.memory_space<hbm>>)
        tpu.yield
      }) : () -> ()
      %sub3A_83 = arith.constant 1 : i32
      %sub3A_84 = arith.subi %scan3A_32#0, %sub3A_83 : i32
      %max3A_85 = arith.constant 0 : i32
      %max3A_86 = arith.maxsi %sub3A_84, %max3A_85 : i32
      %and3A_87 = arith.constant -4 : i32
      %and3A_88 = arith.andi %max3A_86, %and3A_87 : i32
      %add3A_89 = arith.constant 1 : i32
      %add3A_90 = arith.addi %scan3A_40#0, %add3A_89 : i32
      %add3A_91 = arith.constant 3 : i32
      %add3A_92 = arith.addi %add3A_90, %add3A_91 : i32
      %and3A_93 = arith.constant -4 : i32
      %and3A_94 = arith.andi %add3A_92, %and3A_93 : i32
      %min3A_95 = arith.constant 2048 : i32
      %min3A_96 = arith.minsi %and3A_94, %min3A_95 : i32
      %mul3A_97 = arith.constant 262144 : i32
      %mul3A_98 = arith.muli %add3A_9, %mul3A_97 : i32
      %add3A_99 = arith.constant 104960 : i32
      %add3A_100 = arith.addi %mul3A_98, %add3A_99 : i32
      "tpu.region"() ({
        %run_scoped3A = tpu.sem_alloc : memref<!tpu.dma_semaphore, #tpu.memory_space<semaphore_mem>>
        %dma_start3A = arith.constant 0 : i32
        %dma_start3A_138 = tpu.memref_slice %arg7[%dma_start3A] : memref<52480xf32, #tpu.memory_space<vmem>> -> memref<52480xf32, #tpu.memory_space<vmem>>
        %dma_start3A_139 = tpu.memref_slice %arg4[%add3A_100] : memref<33554432xf32, #tpu.memory_space<hbm>> -> memref<52480xf32, #tpu.memory_space<hbm>>
        %dma_start3A_140 = tpu.memref_slice %arg4[%add3A_100] : memref<33554432xf32, #tpu.memory_space<hbm>> -> memref<52480xf32, #tpu.memory_space<hbm>>
        %dma_start3A_141 = arith.constant 0 : i32
        %dma_start3A_142 = tpu.memref_slice %arg7[%dma_start3A_141] : memref<52480xf32, #tpu.memory_space<vmem>> -> memref<52480xf32, #tpu.memory_space<vmem>>
        tpu.enqueue_dma source(%dma_start3A_142 : memref<52480xf32, #tpu.memory_space<vmem>>) target(%dma_start3A_140 : memref<52480xf32, #tpu.memory_space<hbm>>) target_semaphore(%run_scoped3A : memref<!tpu.dma_semaphore, #tpu.memory_space<semaphore_mem>>)
        %dma_wait3A = arith.constant 0 : i32
        %dma_wait3A_143 = tpu.memref_slice %arg7[%dma_wait3A] : memref<52480xf32, #tpu.memory_space<vmem>> -> memref<52480xf32, #tpu.memory_space<vmem>>
        %dma_wait3A_144 = tpu.memref_slice %arg4[%add3A_100] : memref<33554432xf32, #tpu.memory_space<hbm>> -> memref<52480xf32, #tpu.memory_space<hbm>>
        %dma_wait3A_145 = tpu.memref_slice %arg4[%add3A_100] : memref<33554432xf32, #tpu.memory_space<hbm>> -> memref<52480xf32, #tpu.memory_space<hbm>>
        %dma_wait3A_146 = arith.constant 0 : i32
        %dma_wait3A_147 = tpu.memref_slice %arg7[%dma_wait3A_146] : memref<52480xf32, #tpu.memory_space<vmem>> -> memref<52480xf32, #tpu.memory_space<vmem>>
        tpu.wait_dma2 semaphore(%run_scoped3A : memref<!tpu.dma_semaphore, #tpu.memory_space<semaphore_mem>>) src(%dma_wait3A_147 : memref<52480xf32, #tpu.memory_space<vmem>>) dst(%dma_wait3A_145 : memref<52480xf32, #tpu.memory_space<hbm>>)
        tpu.yield
      }) : () -> ()
      %sub3A_101 = arith.constant 1 : i32
      %sub3A_102 = arith.subi %scan3A_40#0, %sub3A_101 : i32
      %max3A_103 = arith.constant 0 : i32
      %max3A_104 = arith.maxsi %sub3A_102, %max3A_103 : i32
      %and3A_105 = arith.constant -4 : i32
      %and3A_106 = arith.andi %max3A_104, %and3A_105 : i32
      %add3A_107 = arith.constant 1 : i32
      %add3A_108 = arith.addi %scan3A_48#0, %add3A_107 : i32
      %add3A_109 = arith.constant 3 : i32
      %add3A_110 = arith.addi %add3A_108, %add3A_109 : i32
      %and3A_111 = arith.constant -4 : i32
      %and3A_112 = arith.andi %add3A_110, %and3A_111 : i32
      %min3A_113 = arith.constant 2048 : i32
      %min3A_114 = arith.minsi %and3A_112, %min3A_113 : i32
      %mul3A_115 = arith.constant 262144 : i32
      %mul3A_116 = arith.muli %add3A_9, %mul3A_115 : i32
      %add3A_117 = arith.constant 157440 : i32
      %add3A_118 = arith.addi %mul3A_116, %add3A_117 : i32
      "tpu.region"() ({
        %run_scoped3A = tpu.sem_alloc : memref<!tpu.dma_semaphore, #tpu.memory_space<semaphore_mem>>
        %dma_start3A = arith.constant 0 : i32
        %dma_start3A_138 = tpu.memref_slice %arg7[%dma_start3A] : memref<52480xf32, #tpu.memory_space<vmem>> -> memref<52480xf32, #tpu.memory_space<vmem>>
        %dma_start3A_139 = tpu.memref_slice %arg4[%add3A_118] : memref<33554432xf32, #tpu.memory_space<hbm>> -> memref<52480xf32, #tpu.memory_space<hbm>>
        %dma_start3A_140 = tpu.memref_slice %arg4[%add3A_118] : memref<33554432xf32, #tpu.memory_space<hbm>> -> memref<52480xf32, #tpu.memory_space<hbm>>
        %dma_start3A_141 = arith.constant 0 : i32
        %dma_start3A_142 = tpu.memref_slice %arg7[%dma_start3A_141] : memref<52480xf32, #tpu.memory_space<vmem>> -> memref<52480xf32, #tpu.memory_space<vmem>>
        tpu.enqueue_dma source(%dma_start3A_142 : memref<52480xf32, #tpu.memory_space<vmem>>) target(%dma_start3A_140 : memref<52480xf32, #tpu.memory_space<hbm>>) target_semaphore(%run_scoped3A : memref<!tpu.dma_semaphore, #tpu.memory_space<semaphore_mem>>)
        %dma_wait3A = arith.constant 0 : i32
        %dma_wait3A_143 = tpu.memref_slice %arg7[%dma_wait3A] : memref<52480xf32, #tpu.memory_space<vmem>> -> memref<52480xf32, #tpu.memory_space<vmem>>
        %dma_wait3A_144 = tpu.memref_slice %arg4[%add3A_118] : memref<33554432xf32, #tpu.memory_space<hbm>> -> memref<52480xf32, #tpu.memory_space<hbm>>
        %dma_wait3A_145 = tpu.memref_slice %arg4[%add3A_118] : memref<33554432xf32, #tpu.memory_space<hbm>> -> memref<52480xf32, #tpu.memory_space<hbm>>
        %dma_wait3A_146 = arith.constant 0 : i32
        %dma_wait3A_147 = tpu.memref_slice %arg7[%dma_wait3A_146] : memref<52480xf32, #tpu.memory_space<vmem>> -> memref<52480xf32, #tpu.memory_space<vmem>>
        tpu.wait_dma2 semaphore(%run_scoped3A : memref<!tpu.dma_semaphore, #tpu.memory_space<semaphore_mem>>) src(%dma_wait3A_147 : memref<52480xf32, #tpu.memory_space<vmem>>) dst(%dma_wait3A_145 : memref<52480xf32, #tpu.memory_space<hbm>>)
        tpu.yield
      }) : () -> ()
      %sub3A_119 = arith.constant 1 : i32
      %sub3A_120 = arith.subi %scan3A_48#0, %sub3A_119 : i32
      %max3A_121 = arith.constant 0 : i32
      %max3A_122 = arith.maxsi %sub3A_120, %max3A_121 : i32
      %and3A_123 = arith.constant -4 : i32
      %and3A_124 = arith.andi %max3A_122, %and3A_123 : i32
      %add3A_125 = arith.constant 2048 : i32
      %add3A_126 = arith.constant 1 : i32
      %add3A_127 = arith.addi %add3A_125, %add3A_126 : i32
      %add3A_128 = arith.constant 3 : i32
      %add3A_129 = arith.addi %add3A_127, %add3A_128 : i32
      %and3A_130 = arith.constant -4 : i32
      %and3A_131 = arith.andi %add3A_129, %and3A_130 : i32
      %min3A_132 = arith.constant 2048 : i32
      %min3A_133 = arith.minsi %and3A_131, %min3A_132 : i32
      %mul3A_134 = arith.constant 262144 : i32
      %mul3A_135 = arith.muli %add3A_9, %mul3A_134 : i32
      %add3A_136 = arith.constant 209920 : i32
      %add3A_137 = arith.addi %mul3A_135, %add3A_136 : i32
      "tpu.region"() ({
        %run_scoped3A = tpu.sem_alloc : memref<!tpu.dma_semaphore, #tpu.memory_space<semaphore_mem>>
        %dma_start3A = arith.constant 0 : i32
        %dma_start3A_138 = tpu.memref_slice %arg7[%dma_start3A] : memref<52480xf32, #tpu.memory_space<vmem>> -> memref<52224xf32, #tpu.memory_space<vmem>>
        %dma_start3A_139 = tpu.memref_slice %arg4[%add3A_137] : memref<33554432xf32, #tpu.memory_space<hbm>> -> memref<52224xf32, #tpu.memory_space<hbm>>
        %dma_start3A_140 = tpu.memref_slice %arg4[%add3A_137] : memref<33554432xf32, #tpu.memory_space<hbm>> -> memref<52224xf32, #tpu.memory_space<hbm>>
        %dma_start3A_141 = arith.constant 0 : i32
        %dma_start3A_142 = tpu.memref_slice %arg7[%dma_start3A_141] : memref<52480xf32, #tpu.memory_space<vmem>> -> memref<52224xf32, #tpu.memory_space<vmem>>
        tpu.enqueue_dma source(%dma_start3A_142 : memref<52224xf32, #tpu.memory_space<vmem>>) target(%dma_start3A_140 : memref<52224xf32, #tpu.memory_space<hbm>>) target_semaphore(%run_scoped3A : memref<!tpu.dma_semaphore, #tpu.memory_space<semaphore_mem>>)
        %dma_wait3A = arith.constant 0 : i32
        %dma_wait3A_143 = tpu.memref_slice %arg7[%dma_wait3A] : memref<52480xf32, #tpu.memory_space<vmem>> -> memref<52224xf32, #tpu.memory_space<vmem>>
        %dma_wait3A_144 = tpu.memref_slice %arg4[%add3A_137] : memref<33554432xf32, #tpu.memory_space<hbm>> -> memref<52224xf32, #tpu.memory_space<hbm>>
        %dma_wait3A_145 = tpu.memref_slice %arg4[%add3A_137] : memref<33554432xf32, #tpu.memory_space<hbm>> -> memref<52224xf32, #tpu.memory_space<hbm>>
        %dma_wait3A_146 = arith.constant 0 : i32
        %dma_wait3A_147 = tpu.memref_slice %arg7[%dma_wait3A_146] : memref<52480xf32, #tpu.memory_space<vmem>> -> memref<52224xf32, #tpu.memory_space<vmem>>
        tpu.wait_dma2 semaphore(%run_scoped3A : memref<!tpu.dma_semaphore, #tpu.memory_space<semaphore_mem>>) src(%dma_wait3A_147 : memref<52224xf32, #tpu.memory_space<vmem>>) dst(%dma_wait3A_145 : memref<52224xf32, #tpu.memory_space<hbm>>)
        tpu.yield
      }) : () -> ()
    }
    %scan3A_5 = arith.constant 4 : i32
    return
  }
}

</mosaic_0001>

<sc_bundles>
// kernel: kernel.3.cloned.1.call-start
scs
__scs_entry_jumppad:
0x0: {  	(pc) =	sbr.rel $0x88, $3  }
0x1: {  	(tag) =	ssettag $0x0;
	lr =	simm.s32 $0x1  }
0x2: {  	[smem:$0x3F9F] =	sst lr;
	_ =	strace $0xD0000000  }
0x3: {  	_ = 	snop  }
0x4: {  	_ = 	snop  }
0x5: {  	_ = 	snop  }
0x6: {  	_ = 	snop  }
0x7: {  	_ = 	snop  }
__scs_overlays_trampoline_lowered:
0x8: {  	[smem:$0x3FAE] =	sst s0  }
0x9: {  	[smem:$0x3FAF] =	sst s1  }
0xa: {  	[smem:$0x3FB0] =	sst s2  }
0xb: {  	[smem:$0x3FB1] =	sst s3  }
0xc: {  	[smem:$0x3FB2] =	sst s4  }
0xd: {  	[smem:$0x3FB3] =	sst s5  }
0xe: {  	[smem:$0x3FB4] =	sst s6  }
0xf: {  	[smem:$0x3FB5] =	sst s7  }
0x10: {  	[smem:$0x3FB6] =	sst s8  }
0x11: {  	[smem:$0x3FB7] =	sst s9;
	s0 =	simm.s32 @!p0 $0x0  }
0x12: {  	s1 =	sld [smem:$0x3F9D];
	s0 =	simm.s32 @p0 $0x1  }
0x13: {  	[smem:$0x3FB8] =	sst s0;
	s0 =	simm.s32 @!p1 $0x0  }
0x14: {  	s2 =	sld [smem:$0x3F9C];
	s0 =	simm.s32 @p1 $0x1  }
0x15: {  	[smem:$0x3FB9] =	sst s0;
	s0 =	simm.s32 @!p2 $0x0  }
0x16: {  	s3 =	sld [smem:$0x3FDB];
	s0 =	simm.s32 @p2 $0x1  }
0x17: {  	s4 =	simm.s32 $0x1BF5;
	[smem:$0x3FBB] =	sst s0  }
0x18: {  	s0 =	sld [smem:$0x3F9E];
	_ =	swait.ge [sflag:s4], $0x0  }
0x19: {  	s7 =	sld [smem:$0x3F9F]  }
0x1a: {  	s8 =	sadd.s32 $0xFFFFE003, lr  }
0x1b: {  	s9 =	sadd.s32 $0xFFFFFEF7, lr;
	s5 =	simm.s32 $0xFFFFFFFF;
	p2 =	slt.u32 s8, $0xFFFFF086  }
0x1c: {  	p1 =	slt.u32 s9, $0xF7A;
	s5 =	simm.s32 @!p2 $0x0  }
0x1d: {  	s5 =	simm.s32 @p1 $0x1;
	p0 =	seq.s32 s7, s2  }
0x1e: {  	s7 =	smul.u32 @!p0 $0xF7A, s2;
	p2 =	seq.s32 @!p0 s5, $0x0  }
0x1f: {  	s9 =	smul.u32 $0xF7A, s1;
	s8 =	simm.s32 @!p0 $0x1BF5;
	p2 =	por !p2, p0  }
0x20: {  	[sflag:s8] =	ssyncset.s32 @!p0 $0xFFFFF086;
	s6 =	sadd.s32 @!p0 s3, s7;
	s7 =	simm.s32 @!p0 $0x108  }
0x21: {  	s3 =	sadd.s32 s3, s9;
	s6 =	sadd.s32 @!p0 $0x88, s6;
	s7 =	simm.s32 @p2 $0x1082  }
0x22: {  	[simem:s7], [sflag:s8] =	dma.local @!p0 [hbm:s6], $0xF7A  }
0x23: {  	s9 =	sor.u32 $0xD0000000, s2;
	s6 =	simm.s32 $0x108;
	_ =	swait.ge @!p0 [sflag:s8], $0x0  }
0x24: {  	s3 =	sadd.s32 $0x88, s3;
	s6 =	simm.s32 @!p1 $0x1082;
	[sflag:s4] =	ssyncset.s32 $0xFFFFF086  }
0x25: {  	[simem:s6], [sflag:s4] =	dma.local [hbm:s3], $0xF7A  }
0x26: {  	[smem:$0x3F9F] =	sst s1;
	(tag) =	ssettag s2;
	_ =	strace s9  }
0x27: {  	s1 =	sld [smem:$0x3FAF]  }
0x28: {  	s2 =	sld [smem:$0x3FB0]  }
0x29: {  	s4 =	sld [smem:$0x3FB2]  }
0x2a: {  	p0 =	seq.s32 s5, $0x0;
	s5 =	sld [smem:$0x3FB3]  }
0x2b: {  	s6 =	sld [smem:$0x3FB4]  }
0x2c: {  	s7 =	sld [smem:$0x3FB5]  }
0x2d: {  	s3 =	simm.s32 $0x108;
	s8 =	sld [smem:$0x3FB6]  }
0x2e: {  	s3 =	simm.s32 @!p0 $0x1082;
	s9 =	sld [smem:$0x3FB7]  }
0x2f: {  	lr =	sadd.s32 s0, s3;
	s0 =	sld [smem:$0x3FAE]  }
0x30: {  	s3 =	sld [smem:$0x3FB1]  }
0x31: {  	[smem:$0x3FBA] =	sst s10  }
0x32: {  	s10 =	sld [smem:$0x3FB8];
	_ =	sdelay $0x3  }
0x33: {  	p0 =	seq.s32 s10, $0x1;
	s10 =	sld [smem:$0x3FBA];
	_ =	sdelay $0x3  }
0x34: {  	[smem:$0x3FBA] =	sst s10  }
0x35: {  	s10 =	sld [smem:$0x3FB9];
	_ =	sdelay $0x3  }
0x36: {  	p1 =	seq.s32 s10, $0x1;
	s10 =	sld [smem:$0x3FBA];
	_ =	sdelay $0x3  }
0x37: {  	[smem:$0x3FBA] =	sst s10  }
0x38: {  	s10 =	sld [smem:$0x3FBB]  }
0x39: {  	_ = 	snop;
	(pc) =	sbr.ind lr, $3  }
0x3a: {  	_ = 	snop  }
0x3b: {  	_ = 	snop  }
0x3c: {  	p2 =	seq.s32 s10, $0x1;
	s10 =	sld [smem:$0x3FBA]  }
0x3d: {  	_ =	shalt  }
0x3e: {  	_ =	shalt  }
0x3f: {  	_ =	shalt  }
0x40: {  	_ =	shalt  }
0x41: {  	_ =	shalt  }
0x42: {  	_ =	shalt  }
0x43: {  	_ =	shalt  }
0x44: {  	_ =	shalt  }
0x45: {  	_ =	shalt  }
0x46: {  	_ =	shalt  }
0x47: {  	_ =	shalt  }
0x48: {  	_ =	shalt  }
0x49: {  	_ =	shalt  }
0x4a: {  	_ =	shalt  }
0x4b: {  	_ =	shalt  }
0x4c: {  	_ =	shalt  }
0x4d: {  	_ =	shalt  }
0x4e: {  	_ =	shalt  }
0x4f: {  	_ =	shalt  }
0x50: {  	_ =	shalt  }
0x51: {  	_ =	shalt  }
0x52: {  	_ =	shalt  }
0x53: {  	_ =	shalt  }
0x54: {  	_ =	shalt  }
0x55: {  	_ =	shalt  }
0x56: {  	_ =	shalt  }
0x57: {  	_ =	shalt  }
0x58: {  	_ =	shalt  }
0x59: {  	_ =	shalt  }
0x5a: {  	_ =	shalt  }
0x5b: {  	_ =	shalt  }
0x5c: {  	_ =	shalt  }
0x5d: {  	_ =	shalt  }
0x5e: {  	_ =	shalt  }
0x5f: {  	_ =	shalt  }
0x60: {  	_ =	shalt  }
0x61: {  	_ =	shalt  }
0x62: {  	_ =	shalt  }
0x63: {  	_ =	shalt  }
0x64: {  	_ =	shalt  }
0x65: {  	_ =	shalt  }
0x66: {  	_ =	shalt  }
0x67: {  	_ =	shalt  }
0x68: {  	_ =	shalt  }
0x69: {  	_ =	shalt  }
0x6a: {  	_ =	shalt  }
0x6b: {  	_ =	shalt  }
0x6c: {  	_ =	shalt  }
0x6d: {  	_ =	shalt  }
0x6e: {  	_ =	shalt  }
0x6f: {  	_ =	shalt  }
0x70: {  	_ =	shalt  }
0x71: {  	_ =	shalt  }
0x72: {  	_ =	shalt  }
0x73: {  	_ =	shalt  }
0x74: {  	_ =	shalt  }
0x75: {  	_ =	shalt  }
0x76: {  	_ =	shalt  }
0x77: {  	_ =	shalt  }
0x78: {  	_ =	shalt  }
0x79: {  	_ =	shalt  }
0x7a: {  	_ =	shalt  }
0x7b: {  	_ =	shalt  }
0x7c: {  	_ =	shalt  }
0x7d: {  	_ =	shalt  }
0x7e: {  	_ =	shalt  }
0x7f: {  	_ =	shalt  }
0x80: {  	_ =	shalt  }
0x81: {  	_ =	shalt  }
0x82: {  	_ =	shalt  }
0x83: {  	_ =	shalt  }
0x84: {  	_ =	shalt  }
0x85: {  	_ =	shalt  }
0x86: {  	_ =	shalt  }
0x87: {  	_ =	shalt  }
.Lfunc_end0:
.L_simem_size_0:
called_computation_lowered:
.L_overlay_start_0:
0x88: {  	s2 =	sld [smem:$0x3FD9]  }
0x89: {  	s3 =	sld [smem:$0x3FFE];
	_ =	sdelay $0x1  }
0x8a: {  	s1 =	srdreg.scid  }
0x8b: {  	s0 =	sand.u32 $0x1, s1  }
0x8c: {  	s17 =	sshll.u32 s0, $0xA;
	s2 =	sadd.s32 s3, s2  }
0x8d: {  	s2 =	sadd.s32 s2, s17  }
0x8e: {  	[smem:$0x3FC6] =	sst s2  }
0x8f: {  	_ = 	snop  }
0x90: {  	s2 =	sld [smem:$0x3FD0];
	(tm) =	ssettm $0x1  }
0x91: {  	s18 =	sld [smem:$0x3FFB];
	_ =	sdelay $0x3  }
0x92: {  	_ =	strace s18  }
0x93: {  	s3 =	sld [smem:$0x3FFC];
	_ =	sdelay $0x3  }
0x94: {  	_ =	strace s3  }
0x95: {  	s3 =	sld [smem:$0x3FFD];
	_ =	sdelay $0x3  }
0x96: {  	_ =	strace s3  }
0x97: {  	_ =	strace $0x8FFFFFFF  }
0x98: {  	s19 =	sld [smem:$0x3FDB];
	_ =	sdelay $0x1  }
0x99: {  	s4 =	simm.s32 $_scs_section_size  }
0x9a: {  	s5 =	simm.s32 $_size__tile_overlayer_lowered;
	s6 =	simm.s32 $_tile_overlayer_lowered  }
0x9b: {  	s22 =	simm.s32 $0x1BFF;
	s21 =	sshll.u32 s6, $0x1;
	s3 =	sadd.s32 s4, s19  }
0x9c: {  	s7 =	simm.s32 $0x0;
	s20 =	sshll.u32 s5, $0x1;
	s5 =	sadd.s32 s21, s3  }
0x9d: {  	[timem:s7], [sflag:s22] =	dma.local [hbm:s5], s20  }
0x9e: {  	_ =	swait.ge [sflag:s22], s20  }
0x9f: {  	s4 =	ssub.s32 $0x0, s20;
	[sflag:s22] =	ssyncset.done $0x0  }
0xa0: {  	[sflag:s22] =	ssyncadd.s32 s4;
	_ =	sdelay $0x1  }
0xa1: {  	s23 =	simm.s32 $0x1B8B  }
0xa2: {  	_ =	swait.ge [sflag:s23], $0x1  }
0xa3: {  	[sflag:s23] =	ssyncset.done $0x0  }
0xa4: {  	s25 =	simm.s32 $0x1B8E;
	s24 =	sld [smem:$0x3FFE];
	[sflag:s23] =	ssyncadd.s32 $0xFFFFFFFF  }
0xa5: {  	s26 =	simm.s32 $execute0_lowered;
	[smem:$0x3FD2] =	sst s25  }
0xa6: {  	s5 =	sshll.u32 s26, $0x1;
	_ =	strace $0x80000046;
	[dreg:$0x1] =	wrdreg $0xFFFFFFFF  }
0xa7: {  	s28 =	simm.s32 $_size_execute0_lowered;
	s3 =	sadd.s32 s3, s5;
	[dreg:$0x0] =	wrdreg $0x0  }
0xa8: {  	s5 =	sshll.u32 s28, $0x1;
	[dreg:$0x2] =	wrdreg s3  }
0xa9: {  	[dreg:$0x3] =	wrdreg s5  }
0xaa: {  	[dreg:$0x4] =	wrdreg $0xC0  }
0xab: {  	_ =	task [dreg:s7], $0x5FFFF  }
0xac: {  	[dreg:$0x1] =	wrdreg $0xFFFFFFFF  }
0xad: {  	[dreg:$0x0] =	wrdreg $0x60  }
0xae: {  	[dreg:$0x2] =	wrdreg s2  }
0xaf: {  	[dreg:$0x3] =	wrdreg s24  }
0xb0: {  	[dreg:$0x4] =	wrdreg $0x9  }
0xb1: {  	_ =	task.clear_ibuf [dreg:s7], $0x5FFFF;
	_ =	strace $0x90000046  }
0xb2: {  	s29 =	simm.s32 $0x9;
	_ =	strace $0x80000048  }
0xb3: {  	_ =	swait.ge [sflag:s29], $0x1  }
0xb4: {  	[sflag:s29] =	ssyncadd.s32 $0xFFFFFFFF  }
0xb5: {  	_ =	strace $0x90000048  }
0xb6: {  	_ =	sfence  }
0xb7: {  	s30 =	sld [smem:$0x0];
	_ =	sdelay $0x2  }
0xb8: {  	s31 =	sshll.u32 s1, $0xD;
	s1 =	sshrl.u32 s1, $0x2  }
0xb9: {  	s3 =	sand.u32 $0x4000, s31;
	s1 =	sadd.s32 s1, s30  }
0xba: {  	s0 =	sor.u32 s3, s0;
	s1 =	sshll.u32 s1, $0x11  }
0xbb: {  	s0 =	sor.u32 s1, s0  }
0xbc: {  	s0 =	sadd.s32 $0x8F2B, s0  }
0xbd: {  	[sflag:s0] =	ssyncadd.remote.s32 $0x1  }
0xbe: {  	_ =	sfence.sel $0xFFFF  }
0xbf: {  	[dreg:$0x0] =	wrdreg $0xFFFFFFFF;
	(pc) =	sbr.abs _section_cstart, $3  }
0xc0: {  	[dreg:$0x1] =	wrdreg $0xFFFFFFFF  }
0xc1: {  	_ =	task.clear_ibuf [dreg:s7], $0x2FFFF;
	_ =	strace $0x9FFFFFFF  }
0xc2: {  	(tm) =	ssettm $0x7FFFFFFF  }
0xc3: {  	_ =	shalt  }
tec
execute0_lowered:
.L_overlay_start_1:
0x0: {  	(tag) =	ssettag $0x1  }
0x1: {  	s5 =	rddreg [dreg:$0x0]  }
0x2: {  	s3 =	rddreg [dreg:$0x1]  }
0x3: {  	s0 =	rddreg [dreg:$0x2];
	s2 =	simm.s32 $0x0;
	s4 =	srdreg.scid  }
0x4: {  	s1 =	stileid.u32;
	[smem:$0x7FF] =	sst s2;
	s4 =	sand.u32 $0x1, s4  }
0x5: {  	s6 =	sshll.u32 s1, $0xF;
	s9 =	sshll.u32 s1, $0x12;
	_ =	strace $0x80000047  }
0x6: {  	s7 =	ssub.s32 $0x2, s4;
	s8 =	sadd.s32 s6, s3;
	s9 =	sadd.s32 s9, s3  }
0x7: {  	s29 =	sshll.u32 s4, $0x11;
	s30 =	sshll.u32 s4, $0xE;
	s6 =	sadd.s32 s6, s5  }
0x8: {  	s10 =	sshrl.u32 s7, $0x1;
	s31 =	sadd.s32 s30, s8;
	s6 =	sadd.s32 s30, s6  }
0x9: {  	s8 =	simm.s32 $0x8080;
	s28 =	ssub.s32 s7, s10;
	s7 =	sadd.s32 s29, s9  }
0xa: {  	s5 =	sadd.s32 $0x80000, s31;
	s9 =	simm.s32 $0x10080;
	s10 =	simm.s32 $0x0  }
0xb: {  	v0 =	vimm.s32 $0xFFFFFFFF;
	s3 =	smax.u32 s28, $0x1;
	s4 =	sadd.s32 $0x100000, s7;
	s7 =	simm.s32 $0x1  }
.LBB2_1:
0xc: {  	[tilespmem:s2], [sflag:$0x1] =	stream.linear.gather [hbm4b:s6+s2], $0x8000, $0x38;
	[tilespmem:$0x1CD80] =	vst v63  }
0xd: {  	_ =	swait.ge [sflag:s7], $0x8000  }
0xe: {  	[sflag:s7] =	ssyncset.done $0x0  }
0xf: {  	[sflag:s7] =	ssyncadd.s32 $0xFFFF8000  }
0x10: {  	[tilespmem:s8], [sflag:$0x1] =	stream.linear.gather [hbm4b:s5+s2], $0x8000, $0x38;
	[tilespmem:$0x1CD80] =	vst v63  }
0x11: {  	_ =	swait.ge [sflag:s7], $0x8000  }
0x12: {  	[sflag:s7] =	ssyncset.done $0x0  }
0x13: {  	[sflag:s7] =	ssyncadd.s32 $0xFFFF8000  }
0x14: {  	s11 =	sadd.s32 $0x0, s4;
	[tilespmem:$0x8000] =	vst v0  }
0x15: {  	[hbm4b:s11+s2] =	stream.linear.scatter [tilespmem:s9], [sflag:$0x1], $0xCD00, $0x38;
	[tilespmem:$0x1CD80] =	vst v63  }
0x16: {  	_ =	swait.ge [sflag:s7], $0xCD00  }
0x17: {  	[sflag:s7] =	ssyncset.done $0x0  }
0x18: {  	s12 =	sadd.s32 $0x19A0, s11;
	[sflag:s7] =	ssyncadd.s32 $0xFFFF3300  }
0x19: {  	[hbm4b:s12+s2] =	stream.linear.scatter [tilespmem:s9], [sflag:$0x1], $0xCD00, $0x38;
	[tilespmem:$0x1CD80] =	vst v63  }
0x1a: {  	_ =	swait.ge [sflag:s7], $0xCD00  }
0x1b: {  	[sflag:s7] =	ssyncset.done $0x0  }
0x1c: {  	s30 =	sadd.s32 $0x3340, s11;
	[sflag:s7] =	ssyncadd.s32 $0xFFFF3300  }
0x1d: {  	[hbm4b:s30+s2] =	stream.linear.scatter [tilespmem:s9], [sflag:$0x1], $0xCD00, $0x38;
	[tilespmem:$0x1CD80] =	vst v63  }
0x1e: {  	_ =	swait.ge [sflag:s7], $0xCD00  }
0x1f: {  	[sflag:s7] =	ssyncset.done $0x0  }
0x20: {  	s31 =	sadd.s32 $0x4CE0, s11;
	[sflag:s7] =	ssyncadd.s32 $0xFFFF3300  }
0x21: {  	[hbm4b:s31+s2] =	stream.linear.scatter [tilespmem:s9], [sflag:$0x1], $0xCD00, $0x38;
	[tilespmem:$0x1CD80] =	vst v63  }
0x22: {  	_ =	swait.ge [sflag:s7], $0xCD00  }
0x23: {  	[sflag:s7] =	ssyncset.done $0x0  }
0x24: {  	s11 =	sadd.s32 $0x6680, s11;
	[sflag:s7] =	ssyncadd.s32 $0xFFFF3300  }
0x25: {  	[hbm4b:s11+s2] =	stream.linear.scatter [tilespmem:s9], [sflag:$0x1], $0xCC00, $0x38;
	[tilespmem:$0x1CD80] =	vst v63  }
0x26: {  	s13 =	smov.u32 s6;
	_ =	swait.ge [sflag:s7], $0xCC00  }
0x27: {  	s12 =	smov.u32 s5;
	s11 =	simm.s32 $0x8000;
	[sflag:s7] =	ssyncset.done $0x0  }
.LBB2_2:
0x28: {  	[sflag:s7] =	ssyncadd.s32 $0xFFFF3400  }
0x29: {  	s12 =	sadd.s32 $0x1000, s12;
	s13 =	sadd.s32 $0x1000, s13;
	s14 =	smov.u32 s11  }
0x2a: {  	[tilespmem:s2], [sflag:$0x1] =	stream.linear.gather [hbm4b:s13+s2], $0x8000, $0x38;
	[tilespmem:$0x1CD80] =	vst v63  }
0x2b: {  	p0 =	sne.s32 s11, $0x18000;
	s11 =	sadd.s32 $0x8000, s11;
	_ =	swait.ge [sflag:s7], $0x8000  }
0x2c: {  	[sflag:s7] =	ssyncset.done $0x0  }
0x2d: {  	[sflag:s7] =	ssyncadd.s32 $0xFFFF8000  }
0x2e: {  	[tilespmem:s8], [sflag:$0x1] =	stream.linear.gather [hbm4b:s12+s2], $0x8000, $0x38;
	[tilespmem:$0x1CD80] =	vst v63  }
0x2f: {  	_ =	swait.ge [sflag:s7], $0x8000  }
0x30: {  	[sflag:s7] =	ssyncset.done $0x0  }
0x31: {  	[sflag:s7] =	ssyncadd.s32 $0xFFFF8000  }
0x32: {  	s14 =	sadd.s32 s14, s4;
	[tilespmem:$0x8000] =	vst v0  }
0x33: {  	[hbm4b:s14+s2] =	stream.linear.scatter [tilespmem:s9], [sflag:$0x1], $0xCD00, $0x38;
	[tilespmem:$0x1CD80] =	vst v63  }
0x34: {  	_ =	swait.ge [sflag:s7], $0xCD00  }
0x35: {  	[sflag:s7] =	ssyncset.done $0x0  }
0x36: {  	s15 =	sadd.s32 $0x19A0, s14;
	[sflag:s7] =	ssyncadd.s32 $0xFFFF3300  }
0x37: {  	[hbm4b:s15+s2] =	stream.linear.scatter [tilespmem:s9], [sflag:$0x1], $0xCD00, $0x38;
	[tilespmem:$0x1CD80] =	vst v63  }
0x38: {  	_ =	swait.ge [sflag:s7], $0xCD00  }
0x39: {  	[sflag:s7] =	ssyncset.done $0x0  }
0x3a: {  	s15 =	sadd.s32 $0x3340, s14;
	[sflag:s7] =	ssyncadd.s32 $0xFFFF3300  }
0x3b: {  	[hbm4b:s15+s2] =	stream.linear.scatter [tilespmem:s9], [sflag:$0x1], $0xCD00, $0x38;
	[tilespmem:$0x1CD80] =	vst v63  }
0x3c: {  	_ =	swait.ge [sflag:s7], $0xCD00  }
0x3d: {  	[sflag:s7] =	ssyncset.done $0x0  }
0x3e: {  	s15 =	sadd.s32 $0x4CE0, s14;
	[sflag:s7] =	ssyncadd.s32 $0xFFFF3300  }
0x3f: {  	[hbm4b:s15+s2] =	stream.linear.scatter [tilespmem:s9], [sflag:$0x1], $0xCD00, $0x38;
	[tilespmem:$0x1CD80] =	vst v63  }
0x40: {  	_ =	swait.ge [sflag:s7], $0xCD00  }
.Ltmp0:
0x41: {  	[sflag:s7] =	ssyncset.done $0x0;
	(pc) =	sbr.rel @p0 .LBB2_2-.Ltmp0, $4  }
0x42: {  	s14 =	sadd.s32 $0x6680, s14;
	[sflag:s7] =	ssyncadd.s32 $0xFFFF3300  }
0x43: {  	[hbm4b:s14+s2] =	stream.linear.scatter [tilespmem:s9], [sflag:$0x1], $0xCC00, $0x38;
	[tilespmem:$0x1CD80] =	vst v63  }
0x44: {  	_ =	swait.ge [sflag:s7], $0xCC00  }
0x45: {  	[sflag:s7] =	ssyncset.done $0x0  }
0x46: {  	s10 =	sadd.s32 $0x1, s10  }
0x47: {  	p0 =	sne.s32 s10, s3  }
.Ltmp1:
0x48: {  	_ = 	snop;
	(pc) =	sbr.rel @p0 .LBB2_1-.Ltmp1, $2  }
0x49: {  	_ =	sdelay $0x2  }
0x4a: {  	[sflag:s7] =	ssyncadd.s32 $0xFFFF3400  }
0x4b: {  	_ =	sfence.sel $0x180000  }
0x4c: {  	[bflag:$0x0] =	sbarrier.arrive $0xFFFF  }
0x4d: {  	p0 =	sne.s32 s1, $0x0;
	_ =	strace $0x90000047  }
0x4e: {  	s0 =	sadd.s32 @!p0 $0x100000, s0;
	[bflag:$0x2] =	sbarrier.arrive $0xFFFF  }
0x4f: {  	[sflag:s0] =	ssyncadd.tile.s32 @!p0 $0x1;
	_ =	shalt  }
.Lfunc_end2:
_tile_overlayer_lowered:
.L_overlay_start_2:
0x50: {  	(tag) =	ssettag $0x2  }
0x51: {  	s0 =	rddreg [dreg:$0x0];
	s2 =	stileid.u32  }
0x52: {  	s1 =	rddreg [dreg:$0x1];
	p0 =	sne.s32 s2, $0x0  }
0x53: {  	s3 =	rddreg [dreg:$0x2];
	[bflag:$0x3] =	sbarrier.arrive $0xFFFF;
	s2 =	simm.s32 @!p0 $0x1C01  }
0x54: {  	[timem:s3], [sflag:s2] =	dma.local @!p0 [hbm:s0], s1  }
0x55: {  	s0 =	simm.s32 @!p0 $0x1  }
0x56: {  	_ =	swait.ge @!p0 [sflag:s0], s1  }
0x57: {  	s1 =	ssub.s32 @!p0 $0x0, s1;
	[sflag:s0] =	ssyncset.done @!p0 $0x0  }
0x58: {  	[sflag:s0] =	ssyncadd.s32 @!p0 s1  }
0x59: {  	[bflag:$0x3] =	sbarrier.arrive $0xFFFF  }
0x5a: {  	_ =	shalt  }

</sc_bundles>
